<compile_context>
chip_gen: v7x
topology: tpu7x:2x2x1
jax: 0.10.2.dev20260603
libtpu: 0.0.44.dev20260713+nightly
codegen_flags: <defaults>
</compile_context>

<pallas_src>
import functools
import jax
import jax.numpy as jnp
from jax import lax
from jax.experimental import pallas as pl
from jax.experimental.pallas import tpu as pltpu
from jax.experimental.pallas import tpu_sc as plsc

_N = 2048
_F = 16
_BLK = 512
_NW = 32
_W = 16


def _sc_b_kernel(e_hbm, dm_hbm, out_hbm, e_v, dm_v, p_v, sem):
    sc_rows = e_hbm.shape[0]
    rpw = sc_rows // _NW
    c = lax.axis_index("c")
    s = lax.axis_index("s")
    wid = s * 2 + c
    base = wid * rpw

    def batch_body(bt, _):
        row0 = base + bt * _W
        pltpu.async_copy(e_hbm.at[pl.ds(row0, _W), :], e_v, sem).wait()
        pltpu.async_copy(dm_hbm.at[pl.ds(row0, _W), :, :], dm_v, sem).wait()

        def row_body(r, _2):
            def j_body(jc, accs):
                a0, a1 = accs
                ve = e_v[r, pl.ds(jc * 16, 16)]
                vd0 = dm_v[r, 0, pl.ds(jc * 16, 16)]
                vd1 = dm_v[r, 1, pl.ds(jc * 16, 16)]
                return (a0 + ve * vd0, a1 + ve * vd1)

            z = jnp.zeros((16,), jnp.float32)
            a0, a1 = lax.fori_loop(0, _N // 16, j_body, (z, z))
            p_v[0, r, :] = a0
            p_v[1, r, :] = a1
            return _2

        lax.fori_loop(0, _W, row_body, 0)
        pltpu.sync_copy(p_v, out_hbm.at[:, pl.ds(row0, _W), :])
        return _

    lax.fori_loop(0, rpw // _W, batch_body, 0)


def _sc_b(edges_part, dmt_part):
    sc_rows = edges_part.shape[0]
    kfn = pl.kernel(
        _sc_b_kernel,
        out_type=jax.ShapeDtypeStruct((2, sc_rows, 16), jnp.float32),
        mesh=plsc.VectorSubcoreMesh(core_axis_name="c", subcore_axis_name="s"),
        scratch_types=[
            pltpu.VMEM((_W, _N), jnp.float32),
            pltpu.VMEM((_W, 2, _N), jnp.float32),
            pltpu.VMEM((2, _W, 16), jnp.float32),
            pltpu.SemaphoreType.DMA,
        ],
    )
    return kfn(edges_part, dmt_part)


def _tc_main_block(x_ref, e_ref, w1x_ref, w2_ref, o_ref):
    i = pl.program_id(0)
    x = x_ref[...]
    e = e_ref[...]
    xw = jnp.dot(x, w1x_ref[...], preferred_element_type=jnp.float32)
    agg = jnp.dot(e, xw, preferred_element_type=jnp.float32)
    xi = x_ref[pl.ds(i * _BLK, _BLK), :]
    o_ref[...] = jnp.dot(xi, w2_ref[...], preferred_element_type=jnp.float32) + agg


def _tc_combine_block(m_ref, p_ref, w1d_ref, o_ref):
    p0 = p_ref[0]
    p1 = p_ref[1]
    b0 = jnp.sum(p0, axis=1, keepdims=True)
    b1 = jnp.sum(p1, axis=1, keepdims=True)
    w1d = w1d_ref[...]
    bc = b0 * w1d[0, :][None, :] + b1 * w1d[1, :][None, :]
    o_ref[...] = m_ref[...] + bc


def kernel(x, edges, distance_matrix, w1, w2):
    w1x = w1[:, :_F].T
    w1d = jnp.zeros((8, _F), jnp.float32).at[:2].set(w1[:, _F:].T)
    w2t = w2.T
    dmt = jnp.transpose(distance_matrix, (0, 2, 1))

    pmat = _sc_b(edges, dmt)

    main = pl.pallas_call(
        _tc_main_block,
        grid=(_N // _BLK,),
        in_specs=[
            pl.BlockSpec((_N, _F), lambda i: (0, 0)),
            pl.BlockSpec((_BLK, _N), lambda i: (i, 0)),
            pl.BlockSpec((_F, _F), lambda i: (0, 0)),
            pl.BlockSpec((_F, _F), lambda i: (0, 0)),
        ],
        out_specs=pl.BlockSpec((_BLK, _F), lambda i: (i, 0)),
        out_shape=jax.ShapeDtypeStruct((_N, _F), jnp.float32),
    )(x, edges, w1x, w2t)

    return pl.pallas_call(
        _tc_combine_block,
        in_specs=[
            pl.BlockSpec((_N, _F), lambda i: (0, 0)),
            pl.BlockSpec((2, _N, _F), lambda i: (0, 0, 0)),
            pl.BlockSpec((8, _F), lambda i: (0, 0)),
        ],
        grid=(1,),
        out_specs=pl.BlockSpec((_N, _F), lambda i: (0, 0)),
        out_shape=jax.ShapeDtypeStruct((_N, _F), jnp.float32),
    )(main, pmat, w1d)

# --- scband reference (transcript-rebuilt; emitter-appended) ---
"""Pipeline reference for scband-gcnlayer-3384434229621 (READ-ONLY COPY).

The authoritative reference and input builder live on the scoring server;
editing this copy changes nothing except your own understanding.
"""

import jax, jax.numpy as jnp
import numpy as np

N = 2048
IN_F = 16
OUT_F = 16


def setup_inputs(seed: int = 0) -> dict:
    key = jax.random.key(seed)
    k1, k2, k3, k4, k5 = jax.random.split(key, 5)
    x = jax.random.normal(k1, (N, IN_F), dtype=jnp.float32)
    edges = jax.random.uniform(k2, (N, N), dtype=jnp.float32)
    distance_matrix = jax.random.normal(k3, (N, N, 2), dtype=jnp.float32)
    # kaiming_uniform_(a=sqrt(5)) -> bound = 1/sqrt(fan_in)
    bound1 = 1.0 / np.sqrt(IN_F + 2)
    w1 = jax.random.uniform(k4, (OUT_F, IN_F + 2), dtype=jnp.float32, minval=-bound1, maxval=bound1)
    bound2 = 1.0 / np.sqrt(IN_F)
    w2 = jax.random.uniform(k5, (OUT_F, IN_F), dtype=jnp.float32, minval=-bound2, maxval=bound2)
    return {"x": x, "edges": edges, "distance_matrix": distance_matrix, "w1": w1, "w2": w2}


def reference(x, edges, distance_matrix, w1, w2):
    # Faithful translation of the per-node loop:
    # for i in range(N):
    #   messages = cat([x, distance_matrix[i]], 1) @ w1.T
    #   messages = edges[i][:, None] * messages
    #   aggregate = messages.sum(0)
    #   out[i] = x[i] @ w2.T + aggregate   (self_connection=False)
    def body(args):
        d_i, e_i, x_i = args
        x_with_shape = jnp.concatenate([x, d_i], axis=1)
        messages = x_with_shape @ w1.T
        messages = e_i[:, None] * messages
        aggregate = jnp.sum(messages, axis=0)
        return x_i @ w2.T + aggregate

    out = jax.lax.map(body, (distance_matrix, edges, x))
    return out

if __name__ == "__main__":
    import jax
    _d = setup_inputs()
    print(jax.jit(kernel)(*tuple(_d.values())))

</pallas_src>

<mosaic_0001>
#map = affine_map<(d0, d1) -> (0, 0)>
#map1 = affine_map<(d0, d1) -> (0, 0, 0)>
module attributes {stable_mosaic.version = 14 : i64} {
  func.func @_sc_b_kernel(%arg0: i32, %arg1: i32, %arg2: memref<2048x2048xf32, #tpu.memory_space<hbm>>, %arg3: memref<2048x2x2048xf32, #tpu.memory_space<hbm>>, %arg4: memref<2x2048x16xf32, #tpu.memory_space<hbm>>, %arg5: memref<16x2048xf32, #tpu.memory_space<vmem>>, %arg6: memref<16x2x2048xf32, #tpu.memory_space<vmem>>, %arg7: memref<2x16x16xf32, #tpu.memory_space<vmem>>, %arg8: memref<!tpu.dma_semaphore, #tpu.memory_space<semaphore_mem>>) attributes {dimension_semantics = [#tpu.dimension_semantics<core_parallel>, #tpu.dimension_semantics<subcore_parallel>], iteration_bounds = array<i64: 2, 16>, scalar_prefetch = 0 : i64, scratch_operands = 4 : i64, tpu.core_type = #tpu.core_type<sc_vector_subcore>, window_params = [{transform_indices = #map}, {transform_indices = #map1}, {transform_indices = #map1}]} {
    %mul3A = arith.constant 2 : i32
    %mul3A_0 = arith.muli %arg1, %mul3A : i32
    %add3A = arith.addi %mul3A_0, %arg0 : i32
    %mul3A_1 = arith.constant 64 : i32
    %mul3A_2 = arith.muli %add3A, %mul3A_1 : i32
    %scan3A = arith.constant 0 : i32
    %scan3A_3 = arith.constant 0 : i32
    %scan3A_4 = arith.constant 4 : i32
    %scan3A_5 = arith.addi %scan3A_3, %scan3A_4 : i32
    %scan3A_6 = arith.constant 1 : i32
    scf.for %scan3A_8 = %scan3A_3 to %scan3A_5 step %scan3A_6  : i32 {
      %mul3A_9 = arith.constant 16 : i32
      %mul3A_10 = arith.muli %scan3A_8, %mul3A_9 : i32
      %add3A_11 = arith.addi %mul3A_2, %mul3A_10 : i32
      %dma_start3A = arith.constant 0 : i32
      %dma_start3A_12 = tpu.memref_slice %arg2[%add3A_11, %dma_start3A] : memref<2048x2048xf32, #tpu.memory_space<hbm>> -> memref<16x2048xf32, #tpu.memory_space<hbm>>
      %dma_start3A_13 = arith.constant 0 : i32
      %dma_start3A_14 = tpu.memref_slice %arg2[%add3A_11, %dma_start3A_13] : memref<2048x2048xf32, #tpu.memory_space<hbm>> -> memref<16x2048xf32, #tpu.memory_space<hbm>>
      tpu.enqueue_dma source(%dma_start3A_14 : memref<16x2048xf32, #tpu.memory_space<hbm>>) target(%arg5 : memref<16x2048xf32, #tpu.memory_space<vmem>>) target_semaphore(%arg8 : memref<!tpu.dma_semaphore, #tpu.memory_space<semaphore_mem>>)
      %dma_wait3A = arith.constant 0 : i32
      %dma_wait3A_15 = tpu.memref_slice %arg2[%add3A_11, %dma_wait3A] : memref<2048x2048xf32, #tpu.memory_space<hbm>> -> memref<16x2048xf32, #tpu.memory_space<hbm>>
      %dma_wait3A_16 = arith.constant 0 : i32
      %dma_wait3A_17 = tpu.memref_slice %arg2[%add3A_11, %dma_wait3A_16] : memref<2048x2048xf32, #tpu.memory_space<hbm>> -> memref<16x2048xf32, #tpu.memory_space<hbm>>
      tpu.wait_dma2 semaphore(%arg8 : memref<!tpu.dma_semaphore, #tpu.memory_space<semaphore_mem>>) src(%dma_wait3A_17 : memref<16x2048xf32, #tpu.memory_space<hbm>>) dst(%arg5 : memref<16x2048xf32, #tpu.memory_space<vmem>>)
      %dma_start3A_18 = arith.constant 0 : i32
      %dma_start3A_19 = arith.constant 0 : i32
      %dma_start3A_20 = tpu.memref_slice %arg3[%add3A_11, %dma_start3A_18, %dma_start3A_19] : memref<2048x2x2048xf32, #tpu.memory_space<hbm>> -> memref<16x2x2048xf32, #tpu.memory_space<hbm>>
      %dma_start3A_21 = arith.constant 0 : i32
      %dma_start3A_22 = arith.constant 0 : i32
      %dma_start3A_23 = tpu.memref_slice %arg3[%add3A_11, %dma_start3A_21, %dma_start3A_22] : memref<2048x2x2048xf32, #tpu.memory_space<hbm>> -> memref<16x2x2048xf32, #tpu.memory_space<hbm>>
      tpu.enqueue_dma source(%dma_start3A_23 : memref<16x2x2048xf32, #tpu.memory_space<hbm>>) target(%arg6 : memref<16x2x2048xf32, #tpu.memory_space<vmem>>) target_semaphore(%arg8 : memref<!tpu.dma_semaphore, #tpu.memory_space<semaphore_mem>>)
      %dma_wait3A_24 = arith.constant 0 : i32
      %dma_wait3A_25 = arith.constant 0 : i32
      %dma_wait3A_26 = tpu.memref_slice %arg3[%add3A_11, %dma_wait3A_24, %dma_wait3A_25] : memref<2048x2x2048xf32, #tpu.memory_space<hbm>> -> memref<16x2x2048xf32, #tpu.memory_space<hbm>>
      %dma_wait3A_27 = arith.constant 0 : i32
      %dma_wait3A_28 = arith.constant 0 : i32
      %dma_wait3A_29 = tpu.memref_slice %arg3[%add3A_11, %dma_wait3A_27, %dma_wait3A_28] : memref<2048x2x2048xf32, #tpu.memory_space<hbm>> -> memref<16x2x2048xf32, #tpu.memory_space<hbm>>
      tpu.wait_dma2 semaphore(%arg8 : memref<!tpu.dma_semaphore, #tpu.memory_space<semaphore_mem>>) src(%dma_wait3A_29 : memref<16x2x2048xf32, #tpu.memory_space<hbm>>) dst(%arg6 : memref<16x2x2048xf32, #tpu.memory_space<vmem>>)
      %scan3A_30 = arith.constant 0 : i32
      %scan3A_31 = arith.constant 0 : i32
      %scan3A_32 = arith.constant 16 : i32
      %scan3A_33 = arith.addi %scan3A_31, %scan3A_32 : i32
      %scan3A_34 = arith.constant 1 : i32
      scf.for %scan3A_36 = %scan3A_31 to %scan3A_33 step %scan3A_34  : i32 {
        %broadcast_in_dim3A = arith.constant 0.000000e+00 : f32
        %broadcast_in_dim3A_37 = vector.broadcast %broadcast_in_dim3A : f32 to vector<16xf32>
        %scan3A_38 = arith.constant 0 : i32
        %scan3A_39 = arith.constant 128 : i32
        %scan3A_40 = arith.addi %scan3A_38, %scan3A_39 : i32
        %scan3A_41 = arith.constant 1 : i32
        %scan3A_42:2 = scf.for %scan3A_57 = %scan3A_38 to %scan3A_40 step %scan3A_41 iter_args(%scan3A_58 = %broadcast_in_dim3A_37, %scan3A_59 = %broadcast_in_dim3A_37) -> (vector<16xf32>, vector<16xf32>)  : i32 {
          %mul3A_60 = arith.constant 16 : i32
          %mul3A_61 = arith.muli %scan3A_57, %mul3A_60 : i32
          %get3A = arith.index_cast %scan3A_36 : i32 to index
          %get3A_62 = arith.index_cast %mul3A_61 : i32 to index
          %get3A_63 = tpu.vector_load %arg5[%get3A, %get3A_62] {strides = array<i32>} : memref<16x2048xf32, #tpu.memory_space<vmem>>, vector<1x16xf32>,
          %get3A_64 = vector.shape_cast %get3A_63 : vector<1x16xf32> to vector<16xf32>
          %mul3A_65 = arith.constant 16 : i32
          %mul3A_66 = arith.muli %scan3A_57, %mul3A_65 : i32
          %get3A_67 = arith.constant 0 : i32
          %get3A_68 = arith.index_cast %scan3A_36 : i32 to index
          %get3A_69 = arith.index_cast %get3A_67 : i32 to index
          %get3A_70 = arith.index_cast %mul3A_66 : i32 to index
          %get3A_71 = tpu.vector_load %arg6[%get3A_68, %get3A_69, %get3A_70] {strides = array<i32>} : memref<16x2x2048xf32, #tpu.memory_space<vmem>>, vector<1x1x16xf32>,
          %get3A_72 = vector.shape_cast %get3A_71 : vector<1x1x16xf32> to vector<16xf32>
          %mul3A_73 = arith.constant 16 : i32
          %mul3A_74 = arith.muli %scan3A_57, %mul3A_73 : i32
          %get3A_75 = arith.constant 1 : i32
          %get3A_76 = arith.index_cast %scan3A_36 : i32 to index
          %get3A_77 = arith.index_cast %get3A_75 : i32 to index
          %get3A_78 = arith.index_cast %mul3A_74 : i32 to index
          %get3A_79 = tpu.vector_load %arg6[%get3A_76, %get3A_77, %get3A_78] {strides = array<i32>} : memref<16x2x2048xf32, #tpu.memory_space<vmem>>, vector<1x1x16xf32>,
          %get3A_80 = vector.shape_cast %get3A_79 : vector<1x1x16xf32> to vector<16xf32>
          %mul3A_81 = arith.mulf %get3A_64, %get3A_72 : vector<16xf32>
          %add3A_82 = arith.addf %scan3A_58, %mul3A_81 : vector<16xf32>
          %mul3A_83 = arith.mulf %get3A_64, %get3A_80 : vector<16xf32>
          %add3A_84 = arith.addf %scan3A_59, %mul3A_83 : vector<16xf32>
          scf.yield %add3A_82, %add3A_84 : vector<16xf32>, vector<16xf32>
        }
        %scan3A_43 = arith.constant 128 : i32
        %swap3A = arith.constant 0 : i32
        %swap3A_44 = arith.index_cast %swap3A : i32 to index
        %swap3A_45 = arith.index_cast %scan3A_36 : i32 to index
        %swap3A_46 = arith.constant 0 : index
        %swap3A_47 = tpu.vector_load %arg7[%swap3A_44, %swap3A_45, %swap3A_46] {strides = array<i32>} : memref<2x16x16xf32, #tpu.memory_space<vmem>>, vector<1x1x16xf32>,
        %swap3A_48 = vector.shape_cast %swap3A_47 : vector<1x1x16xf32> to vector<16xf32>
        %swap3A_49 = vector.shape_cast %scan3A_42#0 : vector<16xf32> to vector<1x1x16xf32>
        tpu.vector_store %arg7[%swap3A_44, %swap3A_45, %swap3A_46], %swap3A_49 {strides = array<i32>} : memref<2x16x16xf32, #tpu.memory_space<vmem>>, vector<1x1x16xf32>,
        %swap3A_50 = arith.constant 1 : i32
        %swap3A_51 = arith.index_cast %swap3A_50 : i32 to index
        %swap3A_52 = arith.index_cast %scan3A_36 : i32 to index
        %swap3A_53 = arith.constant 0 : index
        %swap3A_54 = tpu.vector_load %arg7[%swap3A_51, %swap3A_52, %swap3A_53] {strides = array<i32>} : memref<2x16x16xf32, #tpu.memory_space<vmem>>, vector<1x1x16xf32>,
        %swap3A_55 = vector.shape_cast %swap3A_54 : vector<1x1x16xf32> to vector<16xf32>
        %swap3A_56 = vector.shape_cast %scan3A_42#1 : vector<16xf32> to vector<1x1x16xf32>
        tpu.vector_store %arg7[%swap3A_51, %swap3A_52, %swap3A_53], %swap3A_56 {strides = array<i32>} : memref<2x16x16xf32, #tpu.memory_space<vmem>>, vector<1x1x16xf32>,
      }
      %scan3A_35 = arith.constant 16 : i32
      "tpu.region"() ({
        %run_scoped3A = tpu.sem_alloc : memref<!tpu.dma_semaphore, #tpu.memory_space<semaphore_mem>>
        %dma_start3A_36 = arith.constant 0 : i32
        %dma_start3A_37 = arith.constant 0 : i32
        %dma_start3A_38 = tpu.memref_slice %arg4[%dma_start3A_36, %add3A_11, %dma_start3A_37] : memref<2x2048x16xf32, #tpu.memory_space<hbm>> -> memref<2x16x16xf32, #tpu.memory_space<hbm>>
        %dma_start3A_39 = arith.constant 0 : i32
        %dma_start3A_40 = arith.constant 0 : i32
        %dma_start3A_41 = tpu.memref_slice %arg4[%dma_start3A_39, %add3A_11, %dma_start3A_40] : memref<2x2048x16xf32, #tpu.memory_space<hbm>> -> memref<2x16x16xf32, #tpu.memory_space<hbm>>
        tpu.enqueue_dma source(%arg7 : memref<2x16x16xf32, #tpu.memory_space<vmem>>) target(%dma_start3A_41 : memref<2x16x16xf32, #tpu.memory_space<hbm>>) target_semaphore(%run_scoped3A : memref<!tpu.dma_semaphore, #tpu.memory_space<semaphore_mem>>)
        %dma_wait3A_42 = arith.constant 0 : i32
        %dma_wait3A_43 = arith.constant 0 : i32
        %dma_wait3A_44 = tpu.memref_slice %arg4[%dma_wait3A_42, %add3A_11, %dma_wait3A_43] : memref<2x2048x16xf32, #tpu.memory_space<hbm>> -> memref<2x16x16xf32, #tpu.memory_space<hbm>>
        %dma_wait3A_45 = arith.constant 0 : i32
        %dma_wait3A_46 = arith.constant 0 : i32
        %dma_wait3A_47 = tpu.memref_slice %arg4[%dma_wait3A_45, %add3A_11, %dma_wait3A_46] : memref<2x2048x16xf32, #tpu.memory_space<hbm>> -> memref<2x16x16xf32, #tpu.memory_space<hbm>>
        tpu.wait_dma2 semaphore(%run_scoped3A : memref<!tpu.dma_semaphore, #tpu.memory_space<semaphore_mem>>) src(%arg7 : memref<2x16x16xf32, #tpu.memory_space<vmem>>) dst(%dma_wait3A_47 : memref<2x16x16xf32, #tpu.memory_space<hbm>>)
        tpu.yield
      }) : () -> ()
    }
    %scan3A_7 = arith.constant 4 : i32
    return
  }
}

module attributes {stable_mosaic.version = 14 : i64} {
  func.func @_tc_combine_block(%arg0: i32, %arg1: memref<2048x16xf32, #tpu.memory_space<vmem>>, %arg2: memref<2x2048x16xf32, #tpu.memory_space<vmem>>, %arg3: memref<8x16xf32, #tpu.memory_space<vmem>>, %arg4: memref<2048x16xf32, #tpu.memory_space<vmem>>) attributes {dimension_semantics = [#tpu.dimension_semantics<arbitrary>], iteration_bounds = array<i64: 1>, scalar_prefetch = 0 : i64, scratch_operands = 0 : i64, tpu.core_type = #tpu.core_type<tc>, window_params = [{pipeline_mode = #tpu.pipeline_mode<synchronous>, transform_indices = @transform_0, window_bounds = array<i64: 2048, 16>}, {pipeline_mode = #tpu.pipeline_mode<synchronous>, transform_indices = @transform_1, window_bounds = array<i64: 2, 2048, 16>}, {pipeline_mode = #tpu.pipeline_mode<synchronous>, transform_indices = @transform_2, window_bounds = array<i64: 8, 16>}, {pipeline_mode = #tpu.pipeline_mode<synchronous>, transform_indices = @transform_3, window_bounds = array<i64: 2048, 16>}]} {
    %get3A = arith.constant 0 : index
    %get3A_0 = arith.constant 0 : index
    %get3A_1 = arith.constant 0 : index
    %get3A_2 = vector.load %arg2[%get3A, %get3A_0, %get3A_1] : memref<2x2048x16xf32, #tpu.memory_space<vmem>>, vector<1x2048x16xf32>
    %get3A_3 = vector.shape_cast %get3A_2 : vector<1x2048x16xf32> to vector<2048x16xf32>
    %get3A_4 = arith.constant 1 : index
    %get3A_5 = arith.constant 0 : index
    %get3A_6 = arith.constant 0 : index
    %get3A_7 = vector.load %arg2[%get3A_4, %get3A_5, %get3A_6] : memref<2x2048x16xf32, #tpu.memory_space<vmem>>, vector<1x2048x16xf32>
    %get3A_8 = vector.shape_cast %get3A_7 : vector<1x2048x16xf32> to vector<2048x16xf32>
    %reduce_sum3A = arith.constant dense<0.000000e+00> : vector<2048xf32>
    %reduce_sum3A_9 = vector.multi_reduction <add>, %get3A_3, %reduce_sum3A [1] : vector<2048x16xf32> to vector<2048xf32>
    %broadcast_in_dim3A = vector.shape_cast %reduce_sum3A_9 : vector<2048xf32> to vector<2048x1xf32>
    %reduce_sum3A_10 = arith.constant dense<0.000000e+00> : vector<2048xf32>
    %reduce_sum3A_11 = vector.multi_reduction <add>, %get3A_8, %reduce_sum3A_10 [1] : vector<2048x16xf32> to vector<2048xf32>
    %broadcast_in_dim3A_12 = vector.shape_cast %reduce_sum3A_11 : vector<2048xf32> to vector<2048x1xf32>
    %get3A_13 = arith.constant 0 : index
    %get3A_14 = arith.constant 0 : index
    %get3A_15 = vector.load %arg3[%get3A_13, %get3A_14] : memref<8x16xf32, #tpu.memory_space<vmem>>, vector<8x16xf32>
    %slice3A = vector.extract_strided_slice %get3A_15 {offsets = [0, 0], sizes = [1, 16], strides = [1, 1]} : vector<8x16xf32> to vector<1x16xf32>
    %squeeze3A = vector.shape_cast %slice3A : vector<1x16xf32> to vector<16xf32>
    %broadcast_in_dim3A_16 = vector.shape_cast %squeeze3A : vector<16xf32> to vector<1x16xf32>
    %mul3A = vector.broadcast %broadcast_in_dim3A : vector<2048x1xf32> to vector<2048x16xf32>
    %mul3A_17 = vector.broadcast %broadcast_in_dim3A_16 : vector<1x16xf32> to vector<2048x16xf32>
    %mul3A_18 = arith.mulf %mul3A, %mul3A_17 : vector<2048x16xf32>
    %slice3A_19 = vector.extract_strided_slice %get3A_15 {offsets = [1, 0], sizes = [1, 16], strides = [1, 1]} : vector<8x16xf32> to vector<1x16xf32>
    %squeeze3A_20 = vector.shape_cast %slice3A_19 : vector<1x16xf32> to vector<16xf32>
    %broadcast_in_dim3A_21 = vector.shape_cast %squeeze3A_20 : vector<16xf32> to vector<1x16xf32>
    %mul3A_22 = vector.broadcast %broadcast_in_dim3A_12 : vector<2048x1xf32> to vector<2048x16xf32>
    %mul3A_23 = vector.broadcast %broadcast_in_dim3A_21 : vector<1x16xf32> to vector<2048x16xf32>
    %mul3A_24 = arith.mulf %mul3A_22, %mul3A_23 : vector<2048x16xf32>
    %add3A = arith.addf %mul3A_18, %mul3A_24 : vector<2048x16xf32>
    %get3A_25 = arith.constant 0 : index
    %get3A_26 = arith.constant 0 : index
    %get3A_27 = vector.load %arg1[%get3A_25, %get3A_26] : memref<2048x16xf32, #tpu.memory_space<vmem>>, vector<2048x16xf32>
    %add3A_28 = arith.addf %get3A_27, %add3A : vector<2048x16xf32>
    %swap3A = arith.constant 0 : index
    %swap3A_29 = arith.constant 0 : index
    %swap3A_30 = vector.load %arg4[%swap3A, %swap3A_29] : memref<2048x16xf32, #tpu.memory_space<vmem>>, vector<2048x16xf32>
    tpu.vector_store %arg4[%swap3A, %swap3A_29], %add3A_28 {strides = array<i32>} : memref<2048x16xf32, #tpu.memory_space<vmem>>, vector<2048x16xf32>,
    return
  }
  func.func @transform_0(%arg0: i32) -> (i32, i32) {
    %c0_i32 = arith.constant 0 : i32
    %c0_i32_0 = arith.constant 0 : i32
    %c0_i32_1 = arith.constant 0 : i32
    return %c0_i32, %c0_i32_0 : i32, i32
  }
  func.func @transform_1(%arg0: i32) -> (i32, i32, i32) {
    %c0_i32 = arith.constant 0 : i32
    %c0_i32_0 = arith.constant 0 : i32
    %c0_i32_1 = arith.constant 0 : i32
    %c0_i32_2 = arith.constant 0 : i32
    return %c0_i32, %c0_i32_0, %c0_i32_1 : i32, i32, i32
  }
  func.func @transform_2(%arg0: i32) -> (i32, i32) {
    %c0_i32 = arith.constant 0 : i32
    %c0_i32_0 = arith.constant 0 : i32
    %c0_i32_1 = arith.constant 0 : i32
    return %c0_i32, %c0_i32_0 : i32, i32
  }
  func.func @transform_3(%arg0: i32) -> (i32, i32) {
    %c0_i32 = arith.constant 0 : i32
    %c0_i32_0 = arith.constant 0 : i32
    %c0_i32_1 = arith.constant 0 : i32
    return %c0_i32, %c0_i32_0 : i32, i32
  }
}

module attributes {stable_mosaic.version = 14 : i64} {
  func.func @_tc_main_block(%arg0: i32, %arg1: memref<2048x16xf32, #tpu.memory_space<vmem>>, %arg2: memref<512x2048xf32, #tpu.memory_space<vmem>>, %arg3: memref<16x16xf32, #tpu.memory_space<vmem>>, %arg4: memref<16x16xf32, #tpu.memory_space<vmem>>, %arg5: memref<512x16xf32, #tpu.memory_space<vmem>>) attributes {dimension_semantics = [#tpu.dimension_semantics<arbitrary>], iteration_bounds = array<i64: 4>, scalar_prefetch = 0 : i64, scratch_operands = 0 : i64, tpu.core_type = #tpu.core_type<tc>, window_params = [{pipeline_mode = #tpu.pipeline_mode<synchronous>, transform_indices = @transform_0, window_bounds = array<i64: 2048, 16>}, {transform_indices = @transform_1, window_bounds = array<i64: 512, 2048>}, {pipeline_mode = #tpu.pipeline_mode<synchronous>, transform_indices = @transform_2, window_bounds = array<i64: 16, 16>}, {pipeline_mode = #tpu.pipeline_mode<synchronous>, transform_indices = @transform_3, window_bounds = array<i64: 16, 16>}, {transform_indices = @transform_4, window_bounds = array<i64: 512, 16>}]} {
    %get3A = arith.constant 0 : index
    %get3A_0 = arith.constant 0 : index
    %get3A_1 = vector.load %arg1[%get3A, %get3A_0] : memref<2048x16xf32, #tpu.memory_space<vmem>>, vector<2048x16xf32>
    %get3A_2 = arith.constant 0 : index
    %get3A_3 = arith.constant 0 : index
    %get3A_4 = vector.load %arg2[%get3A_2, %get3A_3] : memref<512x2048xf32, #tpu.memory_space<vmem>>, vector<512x2048xf32>
    %get3A_5 = arith.constant 0 : index
    %get3A_6 = arith.constant 0 : index
    %get3A_7 = vector.load %arg3[%get3A_5, %get3A_6] : memref<16x16xf32, #tpu.memory_space<vmem>>, vector<16x16xf32>
    %dot_general3A = arith.constant dense<0.000000e+00> : vector<2048x16xf32>
    %dot_general3A_8 = tpu.matmul %get3A_1, %get3A_7, %dot_general3A {dimension_numbers = #tpu.dot_dimension_numbers<[1], [0], [0], [1], [0, 0, 1, 1], [], []>, transpose_lhs_hint = false} : vector<2048x16xf32>, vector<16x16xf32>, vector<2048x16xf32> -> vector<2048x16xf32>
    %dot_general3A_9 = arith.constant dense<0.000000e+00> : vector<512x16xf32>
    %dot_general3A_10 = tpu.matmul %get3A_4, %dot_general3A_8, %dot_general3A_9 {dimension_numbers = #tpu.dot_dimension_numbers<[1], [0], [0], [1], [0, 0, 1, 1], [], []>, transpose_lhs_hint = false} : vector<512x2048xf32>, vector<2048x16xf32>, vector<512x16xf32> -> vector<512x16xf32>
    %mul3A = arith.constant 512 : i32
    %mul3A_11 = arith.muli %arg0, %mul3A : i32
    %get3A_12 = arith.index_cast %mul3A_11 : i32 to index
    %get3A_13 = arith.constant 0 : index
    %get3A_14 = vector.load %arg1[%get3A_12, %get3A_13] : memref<2048x16xf32, #tpu.memory_space<vmem>>, vector<512x16xf32>
    %get3A_15 = arith.constant 0 : index
    %get3A_16 = arith.constant 0 : index
    %get3A_17 = vector.load %arg4[%get3A_15, %get3A_16] : memref<16x16xf32, #tpu.memory_space<vmem>>, vector<16x16xf32>
    %dot_general3A_18 = arith.constant dense<0.000000e+00> : vector<512x16xf32>
    %dot_general3A_19 = tpu.matmul %get3A_14, %get3A_17, %dot_general3A_18 {dimension_numbers = #tpu.dot_dimension_numbers<[1], [0], [0], [1], [0, 0, 1, 1], [], []>, transpose_lhs_hint = false} : vector<512x16xf32>, vector<16x16xf32>, vector<512x16xf32> -> vector<512x16xf32>
    %add3A = arith.addf %dot_general3A_19, %dot_general3A_10 : vector<512x16xf32>
    %swap3A = arith.constant 0 : index
    %swap3A_20 = arith.constant 0 : index
    %swap3A_21 = vector.load %arg5[%swap3A, %swap3A_20] : memref<512x16xf32, #tpu.memory_space<vmem>>, vector<512x16xf32>
    tpu.vector_store %arg5[%swap3A, %swap3A_20], %add3A {strides = array<i32>} : memref<512x16xf32, #tpu.memory_space<vmem>>, vector<512x16xf32>,
    return
  }
  func.func @transform_0(%arg0: i32) -> (i32, i32) {
    %c0_i32 = arith.constant 0 : i32
    %c0_i32_0 = arith.constant 0 : i32
    %c0_i32_1 = arith.constant 0 : i32
    return %c0_i32, %c0_i32_0 : i32, i32
  }
  func.func @transform_1(%arg0: i32) -> (i32, i32) {
    %c0_i32 = arith.constant 0 : i32
    %c0_i32_0 = arith.constant 0 : i32
    return %arg0, %c0_i32 : i32, i32
  }
  func.func @transform_2(%arg0: i32) -> (i32, i32) {
    %c0_i32 = arith.constant 0 : i32
    %c0_i32_0 = arith.constant 0 : i32
    %c0_i32_1 = arith.constant 0 : i32
    return %c0_i32, %c0_i32_0 : i32, i32
  }
  func.func @transform_3(%arg0: i32) -> (i32, i32) {
    %c0_i32 = arith.constant 0 : i32
    %c0_i32_0 = arith.constant 0 : i32
    %c0_i32_1 = arith.constant 0 : i32
    return %c0_i32, %c0_i32_0 : i32, i32
  }
  func.func @transform_4(%arg0: i32) -> (i32, i32) {
    %c0_i32 = arith.constant 0 : i32
    %c0_i32_0 = arith.constant 0 : i32
    return %arg0, %c0_i32 : i32, i32
  }
}

</mosaic_0001>

<sc_bundles>
// kernel: kernel.5.cloned.1.call-start
scs
__scs_entry_jumppad:
0x0: {  	(pc) =	sbr.rel $0x88, $3  }
0x1: {  	(tag) =	ssettag $0x0;
	lr =	simm.s32 $0x1  }
0x2: {  	[smem:$0x3F9C] =	sst lr;
	_ =	strace $0xD0000000  }
0x3: {  	_ = 	snop  }
0x4: {  	_ = 	snop  }
0x5: {  	_ = 	snop  }
0x6: {  	_ = 	snop  }
0x7: {  	_ = 	snop  }
__scs_overlays_trampoline_lowered:
0x8: {  	[smem:$0x3FAB] =	sst s0  }
0x9: {  	[smem:$0x3FAC] =	sst s1  }
0xa: {  	[smem:$0x3FAD] =	sst s2  }
0xb: {  	[smem:$0x3FAE] =	sst s3  }
0xc: {  	[smem:$0x3FAF] =	sst s4  }
0xd: {  	[smem:$0x3FB0] =	sst s5  }
0xe: {  	[smem:$0x3FB1] =	sst s6  }
0xf: {  	[smem:$0x3FB2] =	sst s7  }
0x10: {  	[smem:$0x3FB3] =	sst s8  }
0x11: {  	[smem:$0x3FB4] =	sst s9;
	s0 =	simm.s32 @!p0 $0x0  }
0x12: {  	s1 =	sld [smem:$0x3F9A];
	s0 =	simm.s32 @p0 $0x1  }
0x13: {  	[smem:$0x3FB5] =	sst s0;
	s0 =	simm.s32 @!p1 $0x0  }
0x14: {  	s2 =	sld [smem:$0x3F99];
	s0 =	simm.s32 @p1 $0x1  }
0x15: {  	[smem:$0x3FB6] =	sst s0;
	s0 =	simm.s32 @!p2 $0x0  }
0x16: {  	s3 =	sld [smem:$0x3FDB];
	s0 =	simm.s32 @p2 $0x1  }
0x17: {  	s4 =	simm.s32 $0x1BF5;
	[smem:$0x3FB8] =	sst s0  }
0x18: {  	s0 =	sld [smem:$0x3F9B];
	_ =	swait.ge [sflag:s4], $0x0  }
0x19: {  	s7 =	sld [smem:$0x3F9C]  }
0x1a: {  	s8 =	sadd.s32 $0xFFFFE003, lr  }
0x1b: {  	s9 =	sadd.s32 $0xFFFFFEF7, lr;
	s5 =	simm.s32 $0xFFFFFFFF;
	p2 =	slt.u32 s8, $0xFFFFF086  }
0x1c: {  	p1 =	slt.u32 s9, $0xF7A;
	s5 =	simm.s32 @!p2 $0x0  }
0x1d: {  	s5 =	simm.s32 @p1 $0x1;
	p0 =	seq.s32 s7, s2  }
0x1e: {  	s7 =	smul.u32 @!p0 $0xF7A, s2;
	p2 =	seq.s32 @!p0 s5, $0x0  }
0x1f: {  	s9 =	smul.u32 $0xF7A, s1;
	s8 =	simm.s32 @!p0 $0x1BF5;
	p2 =	por !p2, p0  }
0x20: {  	[sflag:s8] =	ssyncset.s32 @!p0 $0xFFFFF086;
	s6 =	sadd.s32 @!p0 s3, s7;
	s7 =	simm.s32 @!p0 $0x108  }
0x21: {  	s3 =	sadd.s32 s3, s9;
	s6 =	sadd.s32 @!p0 $0x88, s6;
	s7 =	simm.s32 @p2 $0x1082  }
0x22: {  	[simem:s7], [sflag:s8] =	dma.local @!p0 [hbm:s6], $0xF7A  }
0x23: {  	s9 =	sor.u32 $0xD0000000, s2;
	s6 =	simm.s32 $0x108;
	_ =	swait.ge @!p0 [sflag:s8], $0x0  }
0x24: {  	s3 =	sadd.s32 $0x88, s3;
	s6 =	simm.s32 @!p1 $0x1082;
	[sflag:s4] =	ssyncset.s32 $0xFFFFF086  }
0x25: {  	[simem:s6], [sflag:s4] =	dma.local [hbm:s3], $0xF7A  }
0x26: {  	[smem:$0x3F9C] =	sst s1;
	(tag) =	ssettag s2;
	_ =	strace s9  }
0x27: {  	s1 =	sld [smem:$0x3FAC]  }
0x28: {  	s2 =	sld [smem:$0x3FAD]  }
0x29: {  	s4 =	sld [smem:$0x3FAF]  }
0x2a: {  	p0 =	seq.s32 s5, $0x0;
	s5 =	sld [smem:$0x3FB0]  }
0x2b: {  	s6 =	sld [smem:$0x3FB1]  }
0x2c: {  	s7 =	sld [smem:$0x3FB2]  }
0x2d: {  	s3 =	simm.s32 $0x108;
	s8 =	sld [smem:$0x3FB3]  }
0x2e: {  	s3 =	simm.s32 @!p0 $0x1082;
	s9 =	sld [smem:$0x3FB4]  }
0x2f: {  	lr =	sadd.s32 s0, s3;
	s0 =	sld [smem:$0x3FAB]  }
0x30: {  	s3 =	sld [smem:$0x3FAE]  }
0x31: {  	[smem:$0x3FB7] =	sst s10  }
0x32: {  	s10 =	sld [smem:$0x3FB5];
	_ =	sdelay $0x3  }
0x33: {  	p0 =	seq.s32 s10, $0x1;
	s10 =	sld [smem:$0x3FB7];
	_ =	sdelay $0x3  }
0x34: {  	[smem:$0x3FB7] =	sst s10  }
0x35: {  	s10 =	sld [smem:$0x3FB6];
	_ =	sdelay $0x3  }
0x36: {  	p1 =	seq.s32 s10, $0x1;
	s10 =	sld [smem:$0x3FB7];
	_ =	sdelay $0x3  }
0x37: {  	[smem:$0x3FB7] =	sst s10  }
0x38: {  	s10 =	sld [smem:$0x3FB8]  }
0x39: {  	_ = 	snop;
	(pc) =	sbr.ind lr, $3  }
0x3a: {  	_ = 	snop  }
0x3b: {  	_ = 	snop  }
0x3c: {  	p2 =	seq.s32 s10, $0x1;
	s10 =	sld [smem:$0x3FB7]  }
0x3d: {  	_ =	shalt  }
0x3e: {  	_ =	shalt  }
0x3f: {  	_ =	shalt  }
0x40: {  	_ =	shalt  }
0x41: {  	_ =	shalt  }
0x42: {  	_ =	shalt  }
0x43: {  	_ =	shalt  }
0x44: {  	_ =	shalt  }
0x45: {  	_ =	shalt  }
0x46: {  	_ =	shalt  }
0x47: {  	_ =	shalt  }
0x48: {  	_ =	shalt  }
0x49: {  	_ =	shalt  }
0x4a: {  	_ =	shalt  }
0x4b: {  	_ =	shalt  }
0x4c: {  	_ =	shalt  }
0x4d: {  	_ =	shalt  }
0x4e: {  	_ =	shalt  }
0x4f: {  	_ =	shalt  }
0x50: {  	_ =	shalt  }
0x51: {  	_ =	shalt  }
0x52: {  	_ =	shalt  }
0x53: {  	_ =	shalt  }
0x54: {  	_ =	shalt  }
0x55: {  	_ =	shalt  }
0x56: {  	_ =	shalt  }
0x57: {  	_ =	shalt  }
0x58: {  	_ =	shalt  }
0x59: {  	_ =	shalt  }
0x5a: {  	_ =	shalt  }
0x5b: {  	_ =	shalt  }
0x5c: {  	_ =	shalt  }
0x5d: {  	_ =	shalt  }
0x5e: {  	_ =	shalt  }
0x5f: {  	_ =	shalt  }
0x60: {  	_ =	shalt  }
0x61: {  	_ =	shalt  }
0x62: {  	_ =	shalt  }
0x63: {  	_ =	shalt  }
0x64: {  	_ =	shalt  }
0x65: {  	_ =	shalt  }
0x66: {  	_ =	shalt  }
0x67: {  	_ =	shalt  }
0x68: {  	_ =	shalt  }
0x69: {  	_ =	shalt  }
0x6a: {  	_ =	shalt  }
0x6b: {  	_ =	shalt  }
0x6c: {  	_ =	shalt  }
0x6d: {  	_ =	shalt  }
0x6e: {  	_ =	shalt  }
0x6f: {  	_ =	shalt  }
0x70: {  	_ =	shalt  }
0x71: {  	_ =	shalt  }
0x72: {  	_ =	shalt  }
0x73: {  	_ =	shalt  }
0x74: {  	_ =	shalt  }
0x75: {  	_ =	shalt  }
0x76: {  	_ =	shalt  }
0x77: {  	_ =	shalt  }
0x78: {  	_ =	shalt  }
0x79: {  	_ =	shalt  }
0x7a: {  	_ =	shalt  }
0x7b: {  	_ =	shalt  }
0x7c: {  	_ =	shalt  }
0x7d: {  	_ =	shalt  }
0x7e: {  	_ =	shalt  }
0x7f: {  	_ =	shalt  }
0x80: {  	_ =	shalt  }
0x81: {  	_ =	shalt  }
0x82: {  	_ =	shalt  }
0x83: {  	_ =	shalt  }
0x84: {  	_ =	shalt  }
0x85: {  	_ =	shalt  }
0x86: {  	_ =	shalt  }
0x87: {  	_ =	shalt  }
.Lfunc_end0:
.L_simem_size_0:
called_computation_lowered:
.L_overlay_start_0:
0x88: {  	s2 =	sld [smem:$0x3FD9]  }
0x89: {  	s3 =	sld [smem:$0x3FFE];
	_ =	sdelay $0x1  }
0x8a: {  	s1 =	srdreg.scid  }
0x8b: {  	s0 =	sand.u32 $0x1, s1  }
0x8c: {  	s17 =	sshll.u32 s0, $0xA;
	s2 =	sadd.s32 s3, s2  }
0x8d: {  	s2 =	sadd.s32 s2, s17  }
0x8e: {  	[smem:$0x3FC3] =	sst s2  }
0x8f: {  	_ = 	snop  }
0x90: {  	s2 =	sld [smem:$0x3FC8]  }
0x91: {  	s18 =	sld [smem:$0x3FC7];
	(tm) =	ssettm $0x1  }
0x92: {  	s4 =	sld [smem:$0x3FFB];
	_ =	sdelay $0x3  }
0x93: {  	_ =	strace s4  }
0x94: {  	s4 =	sld [smem:$0x3FFC];
	_ =	sdelay $0x3  }
0x95: {  	_ =	strace s4  }
0x96: {  	s4 =	sld [smem:$0x3FFD];
	_ =	sdelay $0x3  }
0x97: {  	_ =	strace s4  }
0x98: {  	_ =	strace $0x8FFFFFFF  }
0x99: {  	s19 =	sld [smem:$0x3FDB];
	_ =	sdelay $0x1  }
0x9a: {  	s5 =	simm.s32 $_scs_section_size  }
0x9b: {  	s6 =	simm.s32 $_size__tile_overlayer_lowered;
	s7 =	simm.s32 $_tile_overlayer_lowered  }
0x9c: {  	s22 =	simm.s32 $0x1BFF;
	s21 =	sshll.u32 s7, $0x1;
	s4 =	sadd.s32 s5, s19  }
0x9d: {  	s8 =	simm.s32 $0x0;
	s20 =	sshll.u32 s6, $0x1;
	s6 =	sadd.s32 s21, s4  }
0x9e: {  	[timem:s8], [sflag:s22] =	dma.local [hbm:s6], s20  }
0x9f: {  	_ =	swait.ge [sflag:s22], s20  }
0xa0: {  	s5 =	ssub.s32 $0x0, s20;
	[sflag:s22] =	ssyncset.done $0x0  }
0xa1: {  	[sflag:s22] =	ssyncadd.s32 s5;
	_ =	sdelay $0x1  }
0xa2: {  	s23 =	simm.s32 $0x1B8B  }
0xa3: {  	_ =	swait.ge [sflag:s23], $0x1  }
0xa4: {  	[sflag:s23] =	ssyncset.done $0x0  }
0xa5: {  	s25 =	simm.s32 $0x1B8E;
	s24 =	sld [smem:$0x3FFE];
	[sflag:s23] =	ssyncadd.s32 $0xFFFFFFFF  }
0xa6: {  	s26 =	simm.s32 $execute0_lowered;
	[smem:$0x3FD2] =	sst s25  }
0xa7: {  	s6 =	sshll.u32 s26, $0x1;
	_ =	strace $0x80000046;
	[dreg:$0x1] =	wrdreg $0xFFFFFFFF  }
0xa8: {  	s28 =	simm.s32 $_size_execute0_lowered;
	s4 =	sadd.s32 s4, s6;
	[dreg:$0x0] =	wrdreg $0x0  }
0xa9: {  	s6 =	sshll.u32 s28, $0x1;
	[dreg:$0x2] =	wrdreg s4  }
0xaa: {  	[dreg:$0x3] =	wrdreg s6  }
0xab: {  	[dreg:$0x4] =	wrdreg $0xC0  }
0xac: {  	_ =	task [dreg:s8], $0x5FFFF  }
0xad: {  	[dreg:$0x1] =	wrdreg $0xFFFFFFFF  }
0xae: {  	[dreg:$0x0] =	wrdreg $0x60  }
0xaf: {  	[dreg:$0x2] =	wrdreg s2  }
0xb0: {  	[dreg:$0x3] =	wrdreg s18  }
0xb1: {  	[dreg:$0x4] =	wrdreg s24  }
0xb2: {  	[dreg:$0x5] =	wrdreg $0x9  }
0xb3: {  	_ =	task.clear_ibuf [dreg:s8], $0x6FFFF;
	_ =	strace $0x90000046  }
0xb4: {  	s29 =	simm.s32 $0x9;
	_ =	strace $0x80000048  }
0xb5: {  	_ =	swait.ge [sflag:s29], $0x1  }
0xb6: {  	[sflag:s29] =	ssyncadd.s32 $0xFFFFFFFF  }
0xb7: {  	_ =	strace $0x90000048  }
0xb8: {  	_ =	sfence  }
0xb9: {  	s30 =	sld [smem:$0x0];
	_ =	sdelay $0x2  }
0xba: {  	s31 =	sshll.u32 s1, $0xD;
	s1 =	sshrl.u32 s1, $0x2  }
0xbb: {  	s3 =	sand.u32 $0x4000, s31;
	s1 =	sadd.s32 s1, s30  }
0xbc: {  	s0 =	sor.u32 s3, s0;
	s1 =	sshll.u32 s1, $0x11  }
0xbd: {  	s0 =	sor.u32 s1, s0  }
0xbe: {  	s0 =	sadd.s32 $0x8F2B, s0  }
0xbf: {  	[sflag:s0] =	ssyncadd.remote.s32 $0x1  }
0xc0: {  	_ =	sfence.sel $0xFFFF  }
0xc1: {  	[dreg:$0x0] =	wrdreg $0xFFFFFFFF;
	(pc) =	sbr.abs _section_cstart, $3  }
0xc2: {  	[dreg:$0x1] =	wrdreg $0xFFFFFFFF  }
0xc3: {  	_ =	task.clear_ibuf [dreg:s8], $0x2FFFF;
	_ =	strace $0x9FFFFFFF  }
0xc4: {  	(tm) =	ssettm $0x7FFFFFFF  }
0xc5: {  	_ =	shalt  }
tec
execute0_lowered:
.L_overlay_start_1:
0x0: {  	(tag) =	ssettag $0x1  }
0x1: {  	s1 =	rddreg [dreg:$0x0]  }
0x2: {  	s2 =	rddreg [dreg:$0x1]  }
0x3: {  	s5 =	rddreg [dreg:$0x2]  }
0x4: {  	s4 =	srdreg.scid;
	s0 =	rddreg [dreg:$0x3];
	s3 =	simm.s32 $0x0  }
0x5: {  	s9 =	simm.s32 $0x8000;
	s10 =	simm.s32 $0x800;
	s11 =	simm.s32 $0x40000  }
0x6: {  	s12 =	simm.s32 $0x18000;
	s13 =	simm.s32 $0x2;
	s6 =	sand.u32 $0x1, s4  }
0x7: {  	[smem:$0x7FF] =	sst s3;
	s4 =	stileid.u32;
	s7 =	ssub.s32 $0x2, s6  }
0x8: {  	s5 =	sadd.s32 $0xE00, s5;
	_ =	strace $0x80000047;
	s8 =	sshrl.u32 s7, $0x1  }
0x9: {  	s31 =	sshll.u32 s4, $0x7;
	s6 =	sshll.u32 s6, $0x6;
	s7 =	ssub.s32 s7, s8  }
0xa: {  	s6 =	sor.u32 s6, s31;
	s8 =	simm.s32 $0x1;
	s7 =	smax.u32 s7, $0x1  }
.LBB2_1:
0xb: {  	s14 =	simm.s32 $0x0  }
.LBB2_2:
0xc: {  	s15 =	sshll.u32 s14, $0x4  }
0xd: {  	s15 =	sadd.s32 s6, s15  }
0xe: {  	s16 =	sshll.u32 s15, $0x8  }
0xf: {  	s17 =	sadd.s32 s1, s16;
	s16 =	simm.s32 $0x0  }
0x10: {  	[tilespmem:s16], [sflag:$0x1] =	stream.linear.gather [hbm4b:s17+s16], $0x8000, $0x38;
	[tilespmem:$0x19000] =	vst v63  }
0x11: {  	_ =	swait.ge [sflag:s8], $0x8000  }
0x12: {  	s31 =	sshll.u32 s15, $0x9;
	[sflag:s8] =	ssyncset.done $0x0  }
0x13: {  	s17 =	sadd.s32 s2, s31;
	[sflag:s8] =	ssyncadd.s32 $0xFFFF8000  }
0x14: {  	[tilespmem:s9], [sflag:$0x1] =	stream.linear.gather [hbm4b:s17+s16], $0x10000, $0x38;
	[tilespmem:$0x19000] =	vst v63  }
0x15: {  	_ =	swait.ge [sflag:s8], $0x10000  }
0x16: {  	[sflag:s8] =	ssyncset.done $0x0  }
0x17: {  	s17 =	simm.s32 $0x0;
	[sflag:s8] =	ssyncadd.s32 $0xFFFF0000  }
.LBB2_3:
0x18: {  	s19 =	sshll.u32 s17, $0xB;
	s18 =	sshll.u32 s17, $0x7  }
0x19: {  	s21 =	sshll.u32 s17, $0xC;
	s28 =	simm.s32 $0x0;
	s22 =	simm.s32 $0x0  }
0x1a: {  	s23 =	sand.u32 $0x70, s16;
	s19 =	sand.u32 $0x4000, s19;
	s20 =	sand.u32 $0x380, s18  }
0x1b: {  	s26 =	sand.u32 $0x3FFFF000, s21;
	s21 =	sand.u32 $0x3FFFFC00, s28;
	s19 =	sor.u32 s20, s19  }
0x1c: {  	s22 =	sand.u32 $0x3FFFFF00, s22;
	s20 =	sadd.s32 $0x8000, s26;
	s21 =	sadd.s32 s21, s19  }
0x1d: {  	s22 =	sadd.s32 s22, s20;
	s21 =	sadd.s32 s23, s21  }
0x1e: {  	s29 =	sadd.s32 s23, s22;
	v3 =	vld [tilespmem:s21+$0x0]  }
0x1f: {  	v2 =	vld [tilespmem:s29+$0x80]  }
0x20: {  	s30 =	simm.s32 $0x80;
	v5 =	vld [tilespmem:s29+$0x0]  }
0x21: {  	s31 =	simm.s32 $0x20;
	s22 =	sand.u32 $0x3FFFFC00, s30;
	s21 =	simm.s32 $0x10  }
0x22: {  	s23 =	sand.u32 $0x3FFFFF00, s31;
	s22 =	sadd.s32 s22, s19;
	s24 =	sand.u32 $0x70, s21  }
0x23: {  	s23 =	sadd.s32 s23, s20;
	s22 =	sadd.s32 s24, s22  }
0x24: {  	v0 =	vimm.f32 $0.0e+00;
	s23 =	sadd.s32 s24, s23;
	v1 =	vld [tilespmem:s22+$0x0]  }
0x25: {  	s22 =	simm.s32 $0x2;
	v4 =	vmul.f32 v2, v3;
	v2 =	vld [tilespmem:s23+$0x80];
	v5 =	vmul.f32 v5, v3;
	v3 =	vimm.f32 $0.0e+00  }
.LBB2_4:
0x26: {  	s24 =	sshll.u32 s22, $0x7  }
0x27: {  	s25 =	sshll.u32 s22, $0x5;
	v6 =	vld [tilespmem:s23+$0x0];
	s21 =	sadd.s32 $0x10, s21;
	v0 =	vadd.f32 v4, v0;
	p0 =	sne.s32 s22, $0x7F  }
.Ltmp0:
0x28: {  	s22 =	sadd.s32 $0x1, s22;
	s23 =	sand.u32 $0x3FFFFC00, s24;
	v3 =	vadd.f32 v5, v3;
	(pc) =	sbr.rel @p0 .LBB2_4-.Ltmp0, $4  }
0x29: {  	s24 =	sand.u32 $0x70, s21;
	s25 =	sand.u32 $0x3FFFFF00, s25;
	s23 =	sadd.s32 s23, s19  }
0x2a: {  	s25 =	sadd.s32 s25, s20;
	s23 =	sadd.s32 s24, s23;
	v5 =	vmov v1  }
0x2b: {  	v1 =	vld [tilespmem:s23+$0x0];
	s23 =	sadd.s32 s24, s25;
	v4 =	vmul.f32 v2, v5  }
0x2c: {  	v2 =	vld [tilespmem:s23+$0x80];
	v5 =	vmul.f32 v6, v5  }
0x2d: {  	v6 =	vld [tilespmem:s23+$0x0];
	_ =	sdelay $0x2  }
0x2e: {  	s17 =	sadd.s32 $0x1, s17  }
0x2f: {  	v0 =	vadd.f32 v4, v0;
	p0 =	sne.s32 s17, $0x10;
	v62 =	vmul.f32 v2, v1  }
.Ltmp1:
0x30: {  	v3 =	vadd.f32 v5, v3;
	v61 =	vmul.f32 v6, v1;
	(pc) =	sbr.rel @p0 .LBB2_3-.Ltmp1, $4  }
0x31: {  	v0 =	vadd.f32 v62, v0  }
0x32: {  	s18 =	sand.u32 $0x3FFFFF80, s18;
	v63 =	vadd.f32 v61, v3  }
0x33: {  	[tilespmem:s18+$0x18800] =	vst v0  }
0x34: {  	[tilespmem:s18+$0x18000] =	vst v63  }
0x35: {  	s14 =	sadd.s32 $0x1, s14  }
0x36: {  	s15 =	sshll.u32 s15, $0x4;
	p0 =	sne.s32 s14, $0x4  }
.Ltmp2:
0x37: {  	s15 =	sadd.s32 s5, s15;
	(pc) =	sbr.rel @p0 .LBB2_2-.Ltmp2, $4  }
0x38: {  	[hbm4b:s15+s10] =	stream.strided.scatter [tilespmem:s12], [sflag:$0x2], $0x1000, s11, s10, $0x38;
	[tilespmem:$0x19000] =	vst v63  }
0x39: {  	_ =	swait.ge [sflag:s13], $0x1000  }
0x3a: {  	[sflag:s13] =	ssyncset.done $0x0  }
0x3b: {  	[sflag:s13] =	ssyncadd.s32 $0xFFFFF000  }
0x3c: {  	s3 =	sadd.s32 $0x1, s3  }
0x3d: {  	p0 =	sne.s32 s3, s7  }
.Ltmp3:
0x3e: {  	_ = 	snop;
	(pc) =	sbr.rel @p0 .LBB2_1-.Ltmp3, $1  }
0x3f: {  	_ =	sdelay $0x3  }
0x40: {  	_ =	sfence.sel $0x180000  }
0x41: {  	[bflag:$0x0] =	sbarrier.arrive $0xFFFF  }
0x42: {  	p0 =	sne.s32 s4, $0x0;
	_ =	strace $0x90000047  }
0x43: {  	s0 =	sadd.s32 @!p0 $0x100000, s0;
	[bflag:$0x2] =	sbarrier.arrive $0xFFFF  }
0x44: {  	[sflag:s0] =	ssyncadd.tile.s32 @!p0 $0x1;
	_ =	shalt  }
.Lfunc_end2:
_tile_overlayer_lowered:
.L_overlay_start_2:
0x45: {  	(tag) =	ssettag $0x2  }
0x46: {  	s0 =	rddreg [dreg:$0x0];
	s2 =	stileid.u32  }
0x47: {  	s1 =	rddreg [dreg:$0x1];
	p0 =	sne.s32 s2, $0x0  }
0x48: {  	s3 =	rddreg [dreg:$0x2];
	[bflag:$0x3] =	sbarrier.arrive $0xFFFF;
	s2 =	simm.s32 @!p0 $0x1C02  }
0x49: {  	[timem:s3], [sflag:s2] =	dma.local @!p0 [hbm:s0], s1  }
0x4a: {  	s0 =	simm.s32 @!p0 $0x2  }
0x4b: {  	_ =	swait.ge @!p0 [sflag:s0], s1  }
0x4c: {  	s1 =	ssub.s32 @!p0 $0x0, s1;
	[sflag:s0] =	ssyncset.done @!p0 $0x0  }
0x4d: {  	[sflag:s0] =	ssyncadd.s32 @!p0 s1  }
0x4e: {  	[bflag:$0x3] =	sbarrier.arrive $0xFFFF  }
0x4f: {  	_ =	shalt  }

</sc_bundles>
